<compile_context>
chip_gen: v7x
topology: tpu7x:2x2x1
jax: 0.10.2.dev20260603
libtpu: 0.0.44.dev20260713+nightly
codegen_flags: <defaults>
</compile_context>

<pallas_src>
import functools

import jax
import jax.numpy as jnp
from jax import lax
from jax.experimental import pallas as pl
from jax.experimental.pallas import tpu as pltpu
from jax.experimental.pallas import tpu_sc as plsc
import numpy as np

VOCAB_N = 50000
EMBED_N = 64
SAMP_N = 256
LOG_V1 = float(np.log(VOCAB_N + 1.0))

_GCH = 128


def _threefry2x32_np(k0, k1, x0, x1):
    def rotl(x, d):
        return ((x << np.uint32(d)) | (x >> np.uint32(32 - d))).astype(np.uint32)
    ks0, ks1 = np.uint32(k0), np.uint32(k1)
    ks2 = np.uint32(ks0 ^ ks1 ^ np.uint32(0x1BD11BDA))
    x0 = (x0 + ks0).astype(np.uint32)
    x1 = (x1 + ks1).astype(np.uint32)
    keys = [(ks1, ks2), (ks2, ks0), (ks0, ks1), (ks1, ks2), (ks2, ks0)]
    rots = [[13, 15, 26, 6], [17, 29, 16, 24]]
    for i in range(5):
        for r in rots[i % 2]:
            x0 = (x0 + x1).astype(np.uint32)
            x1 = rotl(x1, r)
            x1 = (x1 ^ x0).astype(np.uint32)
        x0 = (x0 + keys[i][0]).astype(np.uint32)
        x1 = (x1 + keys[i][1] + np.uint32(i + 1)).astype(np.uint32)
    return x0, x1


def _log_uniform_sampled_np():
    iota = np.arange(SAMP_N, dtype=np.uint64)
    x0 = (iota >> np.uint64(32)).astype(np.uint32)
    x1 = (iota & np.uint64(0xFFFFFFFF)).astype(np.uint32)
    r0, r1 = _threefry2x32_np(0, 42, x0, x1)
    bits = (r0 ^ r1).astype(np.uint32)
    u = (np.bitwise_or(np.right_shift(bits, np.uint32(9)),
                       np.uint32(0x3F800000))).view(np.float32) - np.float32(1.0)
    c = np.floor(np.exp(u * np.float32(LOG_V1), dtype=np.float32),
                 dtype=np.float32) - np.float32(1.0)
    return np.clip(c.astype(np.int32), 0, VOCAB_N - 1)


_SAMPLED_NP = _log_uniform_sampled_np()


def _samp_neg_log_ec_np():
    c = _SAMPLED_NP.astype(np.float64)
    p = (np.log(c + 2.0) - np.log(c + 1.0)) / LOG_V1
    ec = -np.expm1(float(SAMP_N) * np.log1p(-p))
    return (-np.log(ec)).astype(np.float32)


def _make_sc_gather(B):
    info = plsc.get_sparse_core_info()
    nw = info.num_cores * info.num_subcores
    bpw = B // nw
    spw = SAMP_N // nw
    nch = bpw // _GCH
    mesh = plsc.VectorSubcoreMesh(core_axis_name="c", subcore_axis_name="s")

    @functools.partial(
        pl.kernel,
        mesh=mesh,
        compiler_params=pltpu.CompilerParams(use_tc_tiling_on_sc=False),
        out_type=[
            jax.ShapeDtypeStruct((B, 128), jnp.float32),
            jax.ShapeDtypeStruct((B,), jnp.float32),
            jax.ShapeDtypeStruct((SAMP_N, 128), jnp.float32),
            jax.ShapeDtypeStruct((SAMP_N,), jnp.float32),
        ],
        scratch_types=[
            pltpu.VMEM((bpw,), jnp.int32),
            pltpu.VMEM((bpw, EMBED_N), jnp.float32),
            pltpu.VMEM((bpw,), jnp.float32),
            pltpu.VMEM((spw,), jnp.int32),
            pltpu.VMEM((spw, EMBED_N), jnp.float32),
            pltpu.VMEM((spw,), jnp.float32),
            pltpu.SemaphoreType.DMA,
        ],
    )
    def sc_gather(w_hbm, b_hbm, lab_hbm, samp_hbm,
                  tw_out, tb_out, sw_out, sb_out,
                  idx_v, rows_v, bias_v, sidx_v, srows_v, sbias_v, sem):
        wid = lax.axis_index("s") * info.num_cores + lax.axis_index("c")
        base = wid * bpw
        pltpu.sync_copy(lab_hbm.at[pl.ds(base, bpw)], idx_v)
        sbase = wid * spw
        pltpu.sync_copy(samp_hbm.at[pl.ds(sbase, spw)], sidx_v)
        handles = []
        for k in range(nch):
            sl = pl.ds(k * _GCH, _GCH)
            handles.append(pltpu.async_copy(
                w_hbm.at[idx_v.at[sl]], rows_v.at[sl], sem))
            handles.append(pltpu.async_copy(
                b_hbm.at[idx_v.at[sl]], bias_v.at[sl], sem))
        handles.append(pltpu.async_copy(w_hbm.at[sidx_v], srows_v, sem))
        handles.append(pltpu.async_copy(b_hbm.at[sidx_v], sbias_v, sem))
        for h in handles:
            h.wait()
        pltpu.sync_copy(rows_v,
                        tw_out.at[pl.ds(base, bpw), pl.ds(0, EMBED_N)])
        pltpu.sync_copy(bias_v, tb_out.at[pl.ds(base, bpw)])
        pltpu.sync_copy(srows_v,
                        sw_out.at[pl.ds(sbase, spw), pl.ds(0, EMBED_N)])
        pltpu.sync_copy(sbias_v, sb_out.at[pl.ds(sbase, spw)])

    return sc_gather


def _xent_neg(logits):
    return jnp.maximum(logits, 0.0) + jnp.log(1.0 + jnp.exp(-jnp.abs(logits)))


def _xent_pos(logits):
    return (jnp.maximum(logits, 0.0) - logits
            + jnp.log(1.0 + jnp.exp(-jnp.abs(logits))))


def _log1p_small(x):
    u = 1.0 + x
    return jnp.log(u) + (x - (u - 1.0)) / u


def _neg_log_expected_count(c_f32):
    p = (jnp.log(c_f32 + 2.0) - jnp.log(c_f32 + 1.0)) / LOG_V1
    ec = 1.0 - jnp.exp(float(SAMP_N) * _log1p_small(-p))
    return -jnp.log(ec)


def _tc_body(lab_ref, e_ref, tw_ref, tb_ref, sw_ref, sb_ref, nlec_ref,
             out_ref, *, inv_b):
    i = pl.program_id(0)
    e = e_ref[...]

    tw = tw_ref[...][:, :EMBED_N]
    dot_t = jnp.sum(e * tw, axis=1)
    tl = (dot_t + tb_ref[...]
          + _neg_log_expected_count(lab_ref[...].astype(jnp.float32)))
    total = jnp.sum(jnp.log(1.0 + jnp.exp(-tl)))

    sw = sw_ref[...][:, :EMBED_N]
    adj = sb_ref[...] + nlec_ref[...]
    sl = lax.dot_general(e, sw, (((1,), (1,)), ((), ())),
                         preferred_element_type=jnp.float32)
    sl = sl + adj[None, :]
    total = (total + jnp.sum(jnp.log(1.0 + jnp.exp(sl)))) * inv_b

    @pl.when(i == 0)
    def _():
        out_ref[...] = jnp.zeros((1, 1), jnp.float32)

    out_ref[...] += total[None, None]


def kernel(embedding, nce_weight, nce_bias, target_words):
    B = embedding.shape[0]
    labels = target_words.reshape(-1).astype(jnp.int32)
    sampled = jnp.asarray(_SAMPLED_NP)
    samp_nlec = jnp.asarray(_samp_neg_log_ec_np())

    w_lin = lax.optimization_barrier(nce_weight.reshape(-1))
    w2 = w_lin.reshape(VOCAB_N, EMBED_N)

    sc_gather = _make_sc_gather(B)
    tw, tb, sw, sb = sc_gather(w2, nce_bias, labels, sampled)

    Bb = 4096
    nblocks = B // Bb
    out = pl.pallas_call(
        functools.partial(_tc_body, inv_b=1.0 / B),
        grid=(nblocks,),
        in_specs=[
            pl.BlockSpec((Bb,), lambda i: (i,)),
            pl.BlockSpec((Bb, EMBED_N), lambda i: (i, 0)),
            pl.BlockSpec((Bb, 128), lambda i: (i, 0)),
            pl.BlockSpec((Bb,), lambda i: (i,)),
            pl.BlockSpec((SAMP_N, 128), lambda i: (0, 0)),
            pl.BlockSpec((SAMP_N,), lambda i: (0,)),
            pl.BlockSpec((SAMP_N,), lambda i: (0,)),
        ],
        out_specs=pl.BlockSpec((1, 1), lambda i: (0, 0)),
        out_shape=jax.ShapeDtypeStruct((1, 1), jnp.float32),
        compiler_params=pltpu.CompilerParams(
            dimension_semantics=("arbitrary",)),
    )(labels, embedding, tw, tb, sw, sb, samp_nlec)
    return out[0, 0]

# --- scband reference (transcript-rebuilt; emitter-appended) ---
"""Pipeline reference for scband-nce-loss-66606352827120 (READ-ONLY COPY).

The authoritative reference and input builder live on the scoring server;
editing this copy changes nothing except your own understanding.
"""

import jax, jax.numpy as jnp
import numpy as np

VOCAB = 50000
EMBED = 64
NUM_SAMPLED = 256
BATCH = 16384


def _log_uniform_sample(key, n):
    # TF log_uniform_candidate_sampler: c = floor(exp(u * log(range_max+1))) - 1
    u = jax.random.uniform(key, (n,), dtype=jnp.float32)
    c = jnp.floor(jnp.exp(u * np.float32(np.log(VOCAB + 1.0)))) - 1.0
    return jnp.clip(c.astype(jnp.int32), 0, VOCAB - 1)


def _expected_count(classes, num_tries):
    c = classes.astype(jnp.float32)
    p = (jnp.log(c + 2.0) - jnp.log(c + 1.0)) / np.float32(np.log(VOCAB + 1.0))
    # unique sampling expected count: -expm1(num_tries * log1p(-p))
    return -jnp.expm1(num_tries * jnp.log1p(-p))


def setup_inputs(seed: int = 0) -> dict:
    key = jax.random.key(seed)
    k1, k2, k3 = jax.random.split(key, 3)
    embedding = jax.random.normal(k1, (BATCH, EMBED), dtype=jnp.float32)
    target_words = jax.random.randint(k2, (BATCH, 1), 0, VOCAB).astype(jnp.int64)
    # truncated-normal init with stddev = 1/sqrt(embed_size)
    nce_weight = (jax.random.truncated_normal(k3, -2.0, 2.0, (VOCAB, EMBED), dtype=jnp.float32)
                  * (1.0 / EMBED ** 0.5))
    nce_bias = jnp.zeros((VOCAB,), dtype=jnp.float32)
    return {"embedding": embedding, "nce_weight": nce_weight, "nce_bias": nce_bias,
            "target_words": target_words}


def _sigmoid_xent(logits, label):
    # numerically stable sigmoid cross-entropy with given 0/1 label
    return jnp.maximum(logits, 0.0) - logits * label + jnp.log1p(jnp.exp(-jnp.abs(logits)))


def reference(embedding, nce_weight, nce_bias, target_words):
    labels = target_words.reshape(-1).astype(jnp.int32)
    skey = jax.random.key(42)
    sampled = _log_uniform_sample(skey, NUM_SAMPLED)

    true_ec = _expected_count(labels, float(NUM_SAMPLED))
    samp_ec = _expected_count(sampled, float(NUM_SAMPLED))

    # gather true rows (SparseCore-friendly gathers)
    true_w = jnp.take(nce_weight, labels, axis=0)            # [B, d]
    true_b = jnp.take(nce_bias, labels, axis=0)              # [B]
    true_logits = jnp.sum(embedding * true_w, axis=-1) + true_b - jnp.log(true_ec)

    samp_w = jnp.take(nce_weight, sampled, axis=0)           # [S, d]
    samp_b = jnp.take(nce_bias, sampled, axis=0)             # [S]
    sampled_logits = embedding @ samp_w.T + samp_b[None, :] - jnp.log(samp_ec)[None, :]

    per_example = _sigmoid_xent(true_logits, 1.0) + jnp.sum(_sigmoid_xent(sampled_logits, 0.0), axis=-1)
    return jnp.mean(per_example)

if __name__ == "__main__":
    import jax
    _d = setup_inputs()
    print(jax.jit(kernel)(*tuple(_d.values())))

</pallas_src>

<mosaic_0001>
#map = affine_map<(d0, d1) -> (0, 0)>
#map1 = affine_map<(d0, d1) -> (0)>
module attributes {stable_mosaic.version = 14 : i64} {
  func.func @sc_gather(%arg0: i32, %arg1: i32, %arg2: memref<50000x64xf32, #tpu.memory_space<hbm>>, %arg3: memref<50000xf32, #tpu.memory_space<hbm>>, %arg4: memref<16384xi32, #tpu.memory_space<hbm>>, %arg5: memref<256xi32, #tpu.memory_space<hbm>>, %arg6: memref<16384x128xf32, #tpu.memory_space<hbm>>, %arg7: memref<16384xf32, #tpu.memory_space<hbm>>, %arg8: memref<256x128xf32, #tpu.memory_space<hbm>>, %arg9: memref<256xf32, #tpu.memory_space<hbm>>, %arg10: memref<512xi32, #tpu.memory_space<vmem>>, %arg11: memref<512x64xf32, #tpu.memory_space<vmem>>, %arg12: memref<512xf32, #tpu.memory_space<vmem>>, %arg13: memref<8xi32, #tpu.memory_space<vmem>>, %arg14: memref<8x64xf32, #tpu.memory_space<vmem>>, %arg15: memref<8xf32, #tpu.memory_space<vmem>>, %arg16: memref<!tpu.dma_semaphore, #tpu.memory_space<semaphore_mem>>) attributes {dimension_semantics = [#tpu.dimension_semantics<core_parallel>, #tpu.dimension_semantics<subcore_parallel>], iteration_bounds = array<i64: 2, 16>, scalar_prefetch = 0 : i64, scratch_operands = 7 : i64, tpu.core_type = #tpu.core_type<sc_vector_subcore>, window_params = [{transform_indices = #map}, {transform_indices = #map1}, {transform_indices = #map1}, {transform_indices = #map1}, {transform_indices = #map}, {transform_indices = #map1}, {transform_indices = #map}, {transform_indices = #map1}]} {
    %mul3A = arith.constant 2 : i32
    %mul3A_0 = arith.muli %arg1, %mul3A : i32
    %add3A = arith.addi %mul3A_0, %arg0 : i32
    %mul3A_1 = arith.constant 512 : i32
    %mul3A_2 = arith.muli %add3A, %mul3A_1 : i32
    "tpu.region"() ({
      %run_scoped3A = tpu.sem_alloc : memref<!tpu.dma_semaphore, #tpu.memory_space<semaphore_mem>>
      %dma_start3A_125 = tpu.memref_slice %arg4[%mul3A_2] : memref<16384xi32, #tpu.memory_space<hbm>> -> memref<512xi32, #tpu.memory_space<hbm>>
      %dma_start3A_126 = tpu.memref_slice %arg4[%mul3A_2] : memref<16384xi32, #tpu.memory_space<hbm>> -> memref<512xi32, #tpu.memory_space<hbm>>
      tpu.enqueue_dma source(%dma_start3A_126 : memref<512xi32, #tpu.memory_space<hbm>>) target(%arg10 : memref<512xi32, #tpu.memory_space<vmem>>) target_semaphore(%run_scoped3A : memref<!tpu.dma_semaphore, #tpu.memory_space<semaphore_mem>>)
      %dma_wait3A_127 = tpu.memref_slice %arg4[%mul3A_2] : memref<16384xi32, #tpu.memory_space<hbm>> -> memref<512xi32, #tpu.memory_space<hbm>>
      %dma_wait3A_128 = tpu.memref_slice %arg4[%mul3A_2] : memref<16384xi32, #tpu.memory_space<hbm>> -> memref<512xi32, #tpu.memory_space<hbm>>
      tpu.wait_dma2 semaphore(%run_scoped3A : memref<!tpu.dma_semaphore, #tpu.memory_space<semaphore_mem>>) src(%dma_wait3A_128 : memref<512xi32, #tpu.memory_space<hbm>>) dst(%arg10 : memref<512xi32, #tpu.memory_space<vmem>>)
      tpu.yield
    }) : () -> ()
    %mul3A_3 = arith.constant 8 : i32
    %mul3A_4 = arith.muli %add3A, %mul3A_3 : i32
    "tpu.region"() ({
      %run_scoped3A = tpu.sem_alloc : memref<!tpu.dma_semaphore, #tpu.memory_space<semaphore_mem>>
      %dma_start3A_125 = tpu.memref_slice %arg5[%mul3A_4] : memref<256xi32, #tpu.memory_space<hbm>> -> memref<8xi32, #tpu.memory_space<hbm>>
      %dma_start3A_126 = tpu.memref_slice %arg5[%mul3A_4] : memref<256xi32, #tpu.memory_space<hbm>> -> memref<8xi32, #tpu.memory_space<hbm>>
      tpu.enqueue_dma source(%dma_start3A_126 : memref<8xi32, #tpu.memory_space<hbm>>) target(%arg13 : memref<8xi32, #tpu.memory_space<vmem>>) target_semaphore(%run_scoped3A : memref<!tpu.dma_semaphore, #tpu.memory_space<semaphore_mem>>)
      %dma_wait3A_127 = tpu.memref_slice %arg5[%mul3A_4] : memref<256xi32, #tpu.memory_space<hbm>> -> memref<8xi32, #tpu.memory_space<hbm>>
      %dma_wait3A_128 = tpu.memref_slice %arg5[%mul3A_4] : memref<256xi32, #tpu.memory_space<hbm>> -> memref<8xi32, #tpu.memory_space<hbm>>
      tpu.wait_dma2 semaphore(%run_scoped3A : memref<!tpu.dma_semaphore, #tpu.memory_space<semaphore_mem>>) src(%dma_wait3A_128 : memref<8xi32, #tpu.memory_space<hbm>>) dst(%arg13 : memref<8xi32, #tpu.memory_space<vmem>>)
      tpu.yield
    }) : () -> ()
    %dma_start3A = arith.constant 0 : i32
    %dma_start3A_5 = arith.constant 0 : i32
    %dma_start3A_6 = tpu.memref_slice %arg11[%dma_start3A, %dma_start3A_5] : memref<512x64xf32, #tpu.memory_space<vmem>> -> memref<128x64xf32, #tpu.memory_space<vmem>>
    %dma_start3A_7 = arith.constant 0 : i32
    %dma_start3A_8 = tpu.memref_slice %arg10[%dma_start3A_7] : memref<512xi32, #tpu.memory_space<vmem>> -> memref<128xi32, #tpu.memory_space<vmem>>
    %dma_start3A_9 = arith.constant 0 : i32
    %dma_start3A_10 = arith.constant 0 : i32
    %dma_start3A_11 = tpu.memref_slice %arg2[%dma_start3A_9, %dma_start3A_10] : memref<50000x64xf32, #tpu.memory_space<hbm>> -> memref<50000x64xf32, #tpu.memory_space<hbm>>
    tpu.enqueue_indirect_dma source(%dma_start3A_11 : memref<50000x64xf32, #tpu.memory_space<hbm>>) target(%dma_start3A_6 : memref<128x64xf32, #tpu.memory_space<vmem>>) offsets(%dma_start3A_8 : memref<128xi32, #tpu.memory_space<vmem>>) semaphore(%arg16 : memref<!tpu.dma_semaphore, #tpu.memory_space<semaphore_mem>>)
    %dma_start3A_12 = arith.constant 0 : i32
    %dma_start3A_13 = tpu.memref_slice %arg12[%dma_start3A_12] : memref<512xf32, #tpu.memory_space<vmem>> -> memref<128xf32, #tpu.memory_space<vmem>>
    %dma_start3A_14 = arith.constant 0 : i32
    %dma_start3A_15 = tpu.memref_slice %arg10[%dma_start3A_14] : memref<512xi32, #tpu.memory_space<vmem>> -> memref<128xi32, #tpu.memory_space<vmem>>
    %dma_start3A_16 = arith.constant 0 : i32
    %dma_start3A_17 = tpu.memref_slice %arg3[%dma_start3A_16] : memref<50000xf32, #tpu.memory_space<hbm>> -> memref<50000xf32, #tpu.memory_space<hbm>>
    tpu.enqueue_indirect_dma source(%dma_start3A_17 : memref<50000xf32, #tpu.memory_space<hbm>>) target(%dma_start3A_13 : memref<128xf32, #tpu.memory_space<vmem>>) offsets(%dma_start3A_15 : memref<128xi32, #tpu.memory_space<vmem>>) semaphore(%arg16 : memref<!tpu.dma_semaphore, #tpu.memory_space<semaphore_mem>>)
    %dma_start3A_18 = arith.constant 128 : i32
    %dma_start3A_19 = arith.constant 0 : i32
    %dma_start3A_20 = tpu.memref_slice %arg11[%dma_start3A_18, %dma_start3A_19] : memref<512x64xf32, #tpu.memory_space<vmem>> -> memref<128x64xf32, #tpu.memory_space<vmem>>
    %dma_start3A_21 = arith.constant 128 : i32
    %dma_start3A_22 = tpu.memref_slice %arg10[%dma_start3A_21] : memref<512xi32, #tpu.memory_space<vmem>> -> memref<128xi32, #tpu.memory_space<vmem>>
    %dma_start3A_23 = arith.constant 0 : i32
    %dma_start3A_24 = arith.constant 0 : i32
    %dma_start3A_25 = tpu.memref_slice %arg2[%dma_start3A_23, %dma_start3A_24] : memref<50000x64xf32, #tpu.memory_space<hbm>> -> memref<50000x64xf32, #tpu.memory_space<hbm>>
    tpu.enqueue_indirect_dma source(%dma_start3A_25 : memref<50000x64xf32, #tpu.memory_space<hbm>>) target(%dma_start3A_20 : memref<128x64xf32, #tpu.memory_space<vmem>>) offsets(%dma_start3A_22 : memref<128xi32, #tpu.memory_space<vmem>>) semaphore(%arg16 : memref<!tpu.dma_semaphore, #tpu.memory_space<semaphore_mem>>)
    %dma_start3A_26 = arith.constant 128 : i32
    %dma_start3A_27 = tpu.memref_slice %arg12[%dma_start3A_26] : memref<512xf32, #tpu.memory_space<vmem>> -> memref<128xf32, #tpu.memory_space<vmem>>
    %dma_start3A_28 = arith.constant 128 : i32
    %dma_start3A_29 = tpu.memref_slice %arg10[%dma_start3A_28] : memref<512xi32, #tpu.memory_space<vmem>> -> memref<128xi32, #tpu.memory_space<vmem>>
    %dma_start3A_30 = arith.constant 0 : i32
    %dma_start3A_31 = tpu.memref_slice %arg3[%dma_start3A_30] : memref<50000xf32, #tpu.memory_space<hbm>> -> memref<50000xf32, #tpu.memory_space<hbm>>
    tpu.enqueue_indirect_dma source(%dma_start3A_31 : memref<50000xf32, #tpu.memory_space<hbm>>) target(%dma_start3A_27 : memref<128xf32, #tpu.memory_space<vmem>>) offsets(%dma_start3A_29 : memref<128xi32, #tpu.memory_space<vmem>>) semaphore(%arg16 : memref<!tpu.dma_semaphore, #tpu.memory_space<semaphore_mem>>)
    %dma_start3A_32 = arith.constant 256 : i32
    %dma_start3A_33 = arith.constant 0 : i32
    %dma_start3A_34 = tpu.memref_slice %arg11[%dma_start3A_32, %dma_start3A_33] : memref<512x64xf32, #tpu.memory_space<vmem>> -> memref<128x64xf32, #tpu.memory_space<vmem>>
    %dma_start3A_35 = arith.constant 256 : i32
    %dma_start3A_36 = tpu.memref_slice %arg10[%dma_start3A_35] : memref<512xi32, #tpu.memory_space<vmem>> -> memref<128xi32, #tpu.memory_space<vmem>>
    %dma_start3A_37 = arith.constant 0 : i32
    %dma_start3A_38 = arith.constant 0 : i32
    %dma_start3A_39 = tpu.memref_slice %arg2[%dma_start3A_37, %dma_start3A_38] : memref<50000x64xf32, #tpu.memory_space<hbm>> -> memref<50000x64xf32, #tpu.memory_space<hbm>>
    tpu.enqueue_indirect_dma source(%dma_start3A_39 : memref<50000x64xf32, #tpu.memory_space<hbm>>) target(%dma_start3A_34 : memref<128x64xf32, #tpu.memory_space<vmem>>) offsets(%dma_start3A_36 : memref<128xi32, #tpu.memory_space<vmem>>) semaphore(%arg16 : memref<!tpu.dma_semaphore, #tpu.memory_space<semaphore_mem>>)
    %dma_start3A_40 = arith.constant 256 : i32
    %dma_start3A_41 = tpu.memref_slice %arg12[%dma_start3A_40] : memref<512xf32, #tpu.memory_space<vmem>> -> memref<128xf32, #tpu.memory_space<vmem>>
    %dma_start3A_42 = arith.constant 256 : i32
    %dma_start3A_43 = tpu.memref_slice %arg10[%dma_start3A_42] : memref<512xi32, #tpu.memory_space<vmem>> -> memref<128xi32, #tpu.memory_space<vmem>>
    %dma_start3A_44 = arith.constant 0 : i32
    %dma_start3A_45 = tpu.memref_slice %arg3[%dma_start3A_44] : memref<50000xf32, #tpu.memory_space<hbm>> -> memref<50000xf32, #tpu.memory_space<hbm>>
    tpu.enqueue_indirect_dma source(%dma_start3A_45 : memref<50000xf32, #tpu.memory_space<hbm>>) target(%dma_start3A_41 : memref<128xf32, #tpu.memory_space<vmem>>) offsets(%dma_start3A_43 : memref<128xi32, #tpu.memory_space<vmem>>) semaphore(%arg16 : memref<!tpu.dma_semaphore, #tpu.memory_space<semaphore_mem>>)
    %dma_start3A_46 = arith.constant 384 : i32
    %dma_start3A_47 = arith.constant 0 : i32
    %dma_start3A_48 = tpu.memref_slice %arg11[%dma_start3A_46, %dma_start3A_47] : memref<512x64xf32, #tpu.memory_space<vmem>> -> memref<128x64xf32, #tpu.memory_space<vmem>>
    %dma_start3A_49 = arith.constant 384 : i32
    %dma_start3A_50 = tpu.memref_slice %arg10[%dma_start3A_49] : memref<512xi32, #tpu.memory_space<vmem>> -> memref<128xi32, #tpu.memory_space<vmem>>
    %dma_start3A_51 = arith.constant 0 : i32
    %dma_start3A_52 = arith.constant 0 : i32
    %dma_start3A_53 = tpu.memref_slice %arg2[%dma_start3A_51, %dma_start3A_52] : memref<50000x64xf32, #tpu.memory_space<hbm>> -> memref<50000x64xf32, #tpu.memory_space<hbm>>
    tpu.enqueue_indirect_dma source(%dma_start3A_53 : memref<50000x64xf32, #tpu.memory_space<hbm>>) target(%dma_start3A_48 : memref<128x64xf32, #tpu.memory_space<vmem>>) offsets(%dma_start3A_50 : memref<128xi32, #tpu.memory_space<vmem>>) semaphore(%arg16 : memref<!tpu.dma_semaphore, #tpu.memory_space<semaphore_mem>>)
    %dma_start3A_54 = arith.constant 384 : i32
    %dma_start3A_55 = tpu.memref_slice %arg12[%dma_start3A_54] : memref<512xf32, #tpu.memory_space<vmem>> -> memref<128xf32, #tpu.memory_space<vmem>>
    %dma_start3A_56 = arith.constant 384 : i32
    %dma_start3A_57 = tpu.memref_slice %arg10[%dma_start3A_56] : memref<512xi32, #tpu.memory_space<vmem>> -> memref<128xi32, #tpu.memory_space<vmem>>
    %dma_start3A_58 = arith.constant 0 : i32
    %dma_start3A_59 = tpu.memref_slice %arg3[%dma_start3A_58] : memref<50000xf32, #tpu.memory_space<hbm>> -> memref<50000xf32, #tpu.memory_space<hbm>>
    tpu.enqueue_indirect_dma source(%dma_start3A_59 : memref<50000xf32, #tpu.memory_space<hbm>>) target(%dma_start3A_55 : memref<128xf32, #tpu.memory_space<vmem>>) offsets(%dma_start3A_57 : memref<128xi32, #tpu.memory_space<vmem>>) semaphore(%arg16 : memref<!tpu.dma_semaphore, #tpu.memory_space<semaphore_mem>>)
    %dma_start3A_60 = arith.constant 0 : i32
    %dma_start3A_61 = arith.constant 0 : i32
    %dma_start3A_62 = tpu.memref_slice %arg2[%dma_start3A_60, %dma_start3A_61] : memref<50000x64xf32, #tpu.memory_space<hbm>> -> memref<50000x64xf32, #tpu.memory_space<hbm>>
    tpu.enqueue_indirect_dma source(%dma_start3A_62 : memref<50000x64xf32, #tpu.memory_space<hbm>>) target(%arg14 : memref<8x64xf32, #tpu.memory_space<vmem>>) offsets(%arg13 : memref<8xi32, #tpu.memory_space<vmem>>) semaphore(%arg16 : memref<!tpu.dma_semaphore, #tpu.memory_space<semaphore_mem>>)
    %dma_start3A_63 = arith.constant 0 : i32
    %dma_start3A_64 = tpu.memref_slice %arg3[%dma_start3A_63] : memref<50000xf32, #tpu.memory_space<hbm>> -> memref<50000xf32, #tpu.memory_space<hbm>>
    tpu.enqueue_indirect_dma source(%dma_start3A_64 : memref<50000xf32, #tpu.memory_space<hbm>>) target(%arg15 : memref<8xf32, #tpu.memory_space<vmem>>) offsets(%arg13 : memref<8xi32, #tpu.memory_space<vmem>>) semaphore(%arg16 : memref<!tpu.dma_semaphore, #tpu.memory_space<semaphore_mem>>)
    %dma_wait3A = arith.constant 0 : i32
    %dma_wait3A_65 = arith.constant 0 : i32
    %dma_wait3A_66 = tpu.memref_slice %arg11[%dma_wait3A, %dma_wait3A_65] : memref<512x64xf32, #tpu.memory_space<vmem>> -> memref<128x64xf32, #tpu.memory_space<vmem>>
    %dma_wait3A_67 = arith.constant 0 : i32
    %dma_wait3A_68 = tpu.memref_slice %arg10[%dma_wait3A_67] : memref<512xi32, #tpu.memory_space<vmem>> -> memref<128xi32, #tpu.memory_space<vmem>>
    %dma_wait3A_69 = arith.constant 0 : i32
    %dma_wait3A_70 = arith.constant 0 : i32
    %dma_wait3A_71 = tpu.memref_slice %arg2[%dma_wait3A_69, %dma_wait3A_70] : memref<50000x64xf32, #tpu.memory_space<hbm>> -> memref<50000x64xf32, #tpu.memory_space<hbm>>
    tpu.wait_indirect_dma semaphore(%arg16 : memref<!tpu.dma_semaphore, #tpu.memory_space<semaphore_mem>>) src(%dma_wait3A_71 : memref<50000x64xf32, #tpu.memory_space<hbm>>) dst(%dma_wait3A_66 : memref<128x64xf32, #tpu.memory_space<vmem>>)
    %dma_wait3A_72 = arith.constant 0 : i32
    %dma_wait3A_73 = tpu.memref_slice %arg12[%dma_wait3A_72] : memref<512xf32, #tpu.memory_space<vmem>> -> memref<128xf32, #tpu.memory_space<vmem>>
    %dma_wait3A_74 = arith.constant 0 : i32
    %dma_wait3A_75 = tpu.memref_slice %arg10[%dma_wait3A_74] : memref<512xi32, #tpu.memory_space<vmem>> -> memref<128xi32, #tpu.memory_space<vmem>>
    %dma_wait3A_76 = arith.constant 0 : i32
    %dma_wait3A_77 = tpu.memref_slice %arg3[%dma_wait3A_76] : memref<50000xf32, #tpu.memory_space<hbm>> -> memref<50000xf32, #tpu.memory_space<hbm>>
    tpu.wait_indirect_dma semaphore(%arg16 : memref<!tpu.dma_semaphore, #tpu.memory_space<semaphore_mem>>) src(%dma_wait3A_77 : memref<50000xf32, #tpu.memory_space<hbm>>) dst(%dma_wait3A_73 : memref<128xf32, #tpu.memory_space<vmem>>)
    %dma_wait3A_78 = arith.constant 128 : i32
    %dma_wait3A_79 = arith.constant 0 : i32
    %dma_wait3A_80 = tpu.memref_slice %arg11[%dma_wait3A_78, %dma_wait3A_79] : memref<512x64xf32, #tpu.memory_space<vmem>> -> memref<128x64xf32, #tpu.memory_space<vmem>>
    %dma_wait3A_81 = arith.constant 128 : i32
    %dma_wait3A_82 = tpu.memref_slice %arg10[%dma_wait3A_81] : memref<512xi32, #tpu.memory_space<vmem>> -> memref<128xi32, #tpu.memory_space<vmem>>
    %dma_wait3A_83 = arith.constant 0 : i32
    %dma_wait3A_84 = arith.constant 0 : i32
    %dma_wait3A_85 = tpu.memref_slice %arg2[%dma_wait3A_83, %dma_wait3A_84] : memref<50000x64xf32, #tpu.memory_space<hbm>> -> memref<50000x64xf32, #tpu.memory_space<hbm>>
    tpu.wait_indirect_dma semaphore(%arg16 : memref<!tpu.dma_semaphore, #tpu.memory_space<semaphore_mem>>) src(%dma_wait3A_85 : memref<50000x64xf32, #tpu.memory_space<hbm>>) dst(%dma_wait3A_80 : memref<128x64xf32, #tpu.memory_space<vmem>>)
    %dma_wait3A_86 = arith.constant 128 : i32
    %dma_wait3A_87 = tpu.memref_slice %arg12[%dma_wait3A_86] : memref<512xf32, #tpu.memory_space<vmem>> -> memref<128xf32, #tpu.memory_space<vmem>>
    %dma_wait3A_88 = arith.constant 128 : i32
    %dma_wait3A_89 = tpu.memref_slice %arg10[%dma_wait3A_88] : memref<512xi32, #tpu.memory_space<vmem>> -> memref<128xi32, #tpu.memory_space<vmem>>
    %dma_wait3A_90 = arith.constant 0 : i32
    %dma_wait3A_91 = tpu.memref_slice %arg3[%dma_wait3A_90] : memref<50000xf32, #tpu.memory_space<hbm>> -> memref<50000xf32, #tpu.memory_space<hbm>>
    tpu.wait_indirect_dma semaphore(%arg16 : memref<!tpu.dma_semaphore, #tpu.memory_space<semaphore_mem>>) src(%dma_wait3A_91 : memref<50000xf32, #tpu.memory_space<hbm>>) dst(%dma_wait3A_87 : memref<128xf32, #tpu.memory_space<vmem>>)
    %dma_wait3A_92 = arith.constant 256 : i32
    %dma_wait3A_93 = arith.constant 0 : i32
    %dma_wait3A_94 = tpu.memref_slice %arg11[%dma_wait3A_92, %dma_wait3A_93] : memref<512x64xf32, #tpu.memory_space<vmem>> -> memref<128x64xf32, #tpu.memory_space<vmem>>
    %dma_wait3A_95 = arith.constant 256 : i32
    %dma_wait3A_96 = tpu.memref_slice %arg10[%dma_wait3A_95] : memref<512xi32, #tpu.memory_space<vmem>> -> memref<128xi32, #tpu.memory_space<vmem>>
    %dma_wait3A_97 = arith.constant 0 : i32
    %dma_wait3A_98 = arith.constant 0 : i32
    %dma_wait3A_99 = tpu.memref_slice %arg2[%dma_wait3A_97, %dma_wait3A_98] : memref<50000x64xf32, #tpu.memory_space<hbm>> -> memref<50000x64xf32, #tpu.memory_space<hbm>>
    tpu.wait_indirect_dma semaphore(%arg16 : memref<!tpu.dma_semaphore, #tpu.memory_space<semaphore_mem>>) src(%dma_wait3A_99 : memref<50000x64xf32, #tpu.memory_space<hbm>>) dst(%dma_wait3A_94 : memref<128x64xf32, #tpu.memory_space<vmem>>)
    %dma_wait3A_100 = arith.constant 256 : i32
    %dma_wait3A_101 = tpu.memref_slice %arg12[%dma_wait3A_100] : memref<512xf32, #tpu.memory_space<vmem>> -> memref<128xf32, #tpu.memory_space<vmem>>
    %dma_wait3A_102 = arith.constant 256 : i32
    %dma_wait3A_103 = tpu.memref_slice %arg10[%dma_wait3A_102] : memref<512xi32, #tpu.memory_space<vmem>> -> memref<128xi32, #tpu.memory_space<vmem>>
    %dma_wait3A_104 = arith.constant 0 : i32
    %dma_wait3A_105 = tpu.memref_slice %arg3[%dma_wait3A_104] : memref<50000xf32, #tpu.memory_space<hbm>> -> memref<50000xf32, #tpu.memory_space<hbm>>
    tpu.wait_indirect_dma semaphore(%arg16 : memref<!tpu.dma_semaphore, #tpu.memory_space<semaphore_mem>>) src(%dma_wait3A_105 : memref<50000xf32, #tpu.memory_space<hbm>>) dst(%dma_wait3A_101 : memref<128xf32, #tpu.memory_space<vmem>>)
    %dma_wait3A_106 = arith.constant 384 : i32
    %dma_wait3A_107 = arith.constant 0 : i32
    %dma_wait3A_108 = tpu.memref_slice %arg11[%dma_wait3A_106, %dma_wait3A_107] : memref<512x64xf32, #tpu.memory_space<vmem>> -> memref<128x64xf32, #tpu.memory_space<vmem>>
    %dma_wait3A_109 = arith.constant 384 : i32
    %dma_wait3A_110 = tpu.memref_slice %arg10[%dma_wait3A_109] : memref<512xi32, #tpu.memory_space<vmem>> -> memref<128xi32, #tpu.memory_space<vmem>>
    %dma_wait3A_111 = arith.constant 0 : i32
    %dma_wait3A_112 = arith.constant 0 : i32
    %dma_wait3A_113 = tpu.memref_slice %arg2[%dma_wait3A_111, %dma_wait3A_112] : memref<50000x64xf32, #tpu.memory_space<hbm>> -> memref<50000x64xf32, #tpu.memory_space<hbm>>
    tpu.wait_indirect_dma semaphore(%arg16 : memref<!tpu.dma_semaphore, #tpu.memory_space<semaphore_mem>>) src(%dma_wait3A_113 : memref<50000x64xf32, #tpu.memory_space<hbm>>) dst(%dma_wait3A_108 : memref<128x64xf32, #tpu.memory_space<vmem>>)
    %dma_wait3A_114 = arith.constant 384 : i32
    %dma_wait3A_115 = tpu.memref_slice %arg12[%dma_wait3A_114] : memref<512xf32, #tpu.memory_space<vmem>> -> memref<128xf32, #tpu.memory_space<vmem>>
    %dma_wait3A_116 = arith.constant 384 : i32
    %dma_wait3A_117 = tpu.memref_slice %arg10[%dma_wait3A_116] : memref<512xi32, #tpu.memory_space<vmem>> -> memref<128xi32, #tpu.memory_space<vmem>>
    %dma_wait3A_118 = arith.constant 0 : i32
    %dma_wait3A_119 = tpu.memref_slice %arg3[%dma_wait3A_118] : memref<50000xf32, #tpu.memory_space<hbm>> -> memref<50000xf32, #tpu.memory_space<hbm>>
    tpu.wait_indirect_dma semaphore(%arg16 : memref<!tpu.dma_semaphore, #tpu.memory_space<semaphore_mem>>) src(%dma_wait3A_119 : memref<50000xf32, #tpu.memory_space<hbm>>) dst(%dma_wait3A_115 : memref<128xf32, #tpu.memory_space<vmem>>)
    %dma_wait3A_120 = arith.constant 0 : i32
    %dma_wait3A_121 = arith.constant 0 : i32
    %dma_wait3A_122 = tpu.memref_slice %arg2[%dma_wait3A_120, %dma_wait3A_121] : memref<50000x64xf32, #tpu.memory_space<hbm>> -> memref<50000x64xf32, #tpu.memory_space<hbm>>
    tpu.wait_indirect_dma semaphore(%arg16 : memref<!tpu.dma_semaphore, #tpu.memory_space<semaphore_mem>>) src(%dma_wait3A_122 : memref<50000x64xf32, #tpu.memory_space<hbm>>) dst(%arg14 : memref<8x64xf32, #tpu.memory_space<vmem>>)
    %dma_wait3A_123 = arith.constant 0 : i32
    %dma_wait3A_124 = tpu.memref_slice %arg3[%dma_wait3A_123] : memref<50000xf32, #tpu.memory_space<hbm>> -> memref<50000xf32, #tpu.memory_space<hbm>>
    tpu.wait_indirect_dma semaphore(%arg16 : memref<!tpu.dma_semaphore, #tpu.memory_space<semaphore_mem>>) src(%dma_wait3A_124 : memref<50000xf32, #tpu.memory_space<hbm>>) dst(%arg15 : memref<8xf32, #tpu.memory_space<vmem>>)
    "tpu.region"() ({
      %run_scoped3A = tpu.sem_alloc : memref<!tpu.dma_semaphore, #tpu.memory_space<semaphore_mem>>
      %dma_start3A_125 = arith.constant 0 : i32
      %dma_start3A_126 = tpu.memref_slice %arg6[%mul3A_2, %dma_start3A_125] : memref<16384x128xf32, #tpu.memory_space<hbm>> -> memref<512x64xf32, #tpu.memory_space<hbm>>
      %dma_start3A_127 = arith.constant 0 : i32
      %dma_start3A_128 = tpu.memref_slice %arg6[%mul3A_2, %dma_start3A_127] : memref<16384x128xf32, #tpu.memory_space<hbm>> -> memref<512x64xf32, #tpu.memory_space<hbm>>
      tpu.enqueue_dma source(%arg11 : memref<512x64xf32, #tpu.memory_space<vmem>>) target(%dma_start3A_128 : memref<512x64xf32, #tpu.memory_space<hbm>>) target_semaphore(%run_scoped3A : memref<!tpu.dma_semaphore, #tpu.memory_space<semaphore_mem>>)
      %dma_wait3A_129 = arith.constant 0 : i32
      %dma_wait3A_130 = tpu.memref_slice %arg6[%mul3A_2, %dma_wait3A_129] : memref<16384x128xf32, #tpu.memory_space<hbm>> -> memref<512x64xf32, #tpu.memory_space<hbm>>
      %dma_wait3A_131 = arith.constant 0 : i32
      %dma_wait3A_132 = tpu.memref_slice %arg6[%mul3A_2, %dma_wait3A_131] : memref<16384x128xf32, #tpu.memory_space<hbm>> -> memref<512x64xf32, #tpu.memory_space<hbm>>
      tpu.wait_dma2 semaphore(%run_scoped3A : memref<!tpu.dma_semaphore, #tpu.memory_space<semaphore_mem>>) src(%arg11 : memref<512x64xf32, #tpu.memory_space<vmem>>) dst(%dma_wait3A_132 : memref<512x64xf32, #tpu.memory_space<hbm>>)
      tpu.yield
    }) : () -> ()
    "tpu.region"() ({
      %run_scoped3A = tpu.sem_alloc : memref<!tpu.dma_semaphore, #tpu.memory_space<semaphore_mem>>
      %dma_start3A_125 = tpu.memref_slice %arg7[%mul3A_2] : memref<16384xf32, #tpu.memory_space<hbm>> -> memref<512xf32, #tpu.memory_space<hbm>>
      %dma_start3A_126 = tpu.memref_slice %arg7[%mul3A_2] : memref<16384xf32, #tpu.memory_space<hbm>> -> memref<512xf32, #tpu.memory_space<hbm>>
      tpu.enqueue_dma source(%arg12 : memref<512xf32, #tpu.memory_space<vmem>>) target(%dma_start3A_126 : memref<512xf32, #tpu.memory_space<hbm>>) target_semaphore(%run_scoped3A : memref<!tpu.dma_semaphore, #tpu.memory_space<semaphore_mem>>)
      %dma_wait3A_127 = tpu.memref_slice %arg7[%mul3A_2] : memref<16384xf32, #tpu.memory_space<hbm>> -> memref<512xf32, #tpu.memory_space<hbm>>
      %dma_wait3A_128 = tpu.memref_slice %arg7[%mul3A_2] : memref<16384xf32, #tpu.memory_space<hbm>> -> memref<512xf32, #tpu.memory_space<hbm>>
      tpu.wait_dma2 semaphore(%run_scoped3A : memref<!tpu.dma_semaphore, #tpu.memory_space<semaphore_mem>>) src(%arg12 : memref<512xf32, #tpu.memory_space<vmem>>) dst(%dma_wait3A_128 : memref<512xf32, #tpu.memory_space<hbm>>)
      tpu.yield
    }) : () -> ()
    "tpu.region"() ({
      %run_scoped3A = tpu.sem_alloc : memref<!tpu.dma_semaphore, #tpu.memory_space<semaphore_mem>>
      %dma_start3A_125 = arith.constant 0 : i32
      %dma_start3A_126 = tpu.memref_slice %arg8[%mul3A_4, %dma_start3A_125] : memref<256x128xf32, #tpu.memory_space<hbm>> -> memref<8x64xf32, #tpu.memory_space<hbm>>
      %dma_start3A_127 = arith.constant 0 : i32
      %dma_start3A_128 = tpu.memref_slice %arg8[%mul3A_4, %dma_start3A_127] : memref<256x128xf32, #tpu.memory_space<hbm>> -> memref<8x64xf32, #tpu.memory_space<hbm>>
      tpu.enqueue_dma source(%arg14 : memref<8x64xf32, #tpu.memory_space<vmem>>) target(%dma_start3A_128 : memref<8x64xf32, #tpu.memory_space<hbm>>) target_semaphore(%run_scoped3A : memref<!tpu.dma_semaphore, #tpu.memory_space<semaphore_mem>>)
      %dma_wait3A_129 = arith.constant 0 : i32
      %dma_wait3A_130 = tpu.memref_slice %arg8[%mul3A_4, %dma_wait3A_129] : memref<256x128xf32, #tpu.memory_space<hbm>> -> memref<8x64xf32, #tpu.memory_space<hbm>>
      %dma_wait3A_131 = arith.constant 0 : i32
      %dma_wait3A_132 = tpu.memref_slice %arg8[%mul3A_4, %dma_wait3A_131] : memref<256x128xf32, #tpu.memory_space<hbm>> -> memref<8x64xf32, #tpu.memory_space<hbm>>
      tpu.wait_dma2 semaphore(%run_scoped3A : memref<!tpu.dma_semaphore, #tpu.memory_space<semaphore_mem>>) src(%arg14 : memref<8x64xf32, #tpu.memory_space<vmem>>) dst(%dma_wait3A_132 : memref<8x64xf32, #tpu.memory_space<hbm>>)
      tpu.yield
    }) : () -> ()
    "tpu.region"() ({
      %run_scoped3A = tpu.sem_alloc : memref<!tpu.dma_semaphore, #tpu.memory_space<semaphore_mem>>
      %dma_start3A_125 = tpu.memref_slice %arg9[%mul3A_4] : memref<256xf32, #tpu.memory_space<hbm>> -> memref<8xf32, #tpu.memory_space<hbm>>
      %dma_start3A_126 = tpu.memref_slice %arg9[%mul3A_4] : memref<256xf32, #tpu.memory_space<hbm>> -> memref<8xf32, #tpu.memory_space<hbm>>
      tpu.enqueue_dma source(%arg15 : memref<8xf32, #tpu.memory_space<vmem>>) target(%dma_start3A_126 : memref<8xf32, #tpu.memory_space<hbm>>) target_semaphore(%run_scoped3A : memref<!tpu.dma_semaphore, #tpu.memory_space<semaphore_mem>>)
      %dma_wait3A_127 = tpu.memref_slice %arg9[%mul3A_4] : memref<256xf32, #tpu.memory_space<hbm>> -> memref<8xf32, #tpu.memory_space<hbm>>
      %dma_wait3A_128 = tpu.memref_slice %arg9[%mul3A_4] : memref<256xf32, #tpu.memory_space<hbm>> -> memref<8xf32, #tpu.memory_space<hbm>>
      tpu.wait_dma2 semaphore(%run_scoped3A : memref<!tpu.dma_semaphore, #tpu.memory_space<semaphore_mem>>) src(%arg15 : memref<8xf32, #tpu.memory_space<vmem>>) dst(%dma_wait3A_128 : memref<8xf32, #tpu.memory_space<hbm>>)
      tpu.yield
    }) : () -> ()
    return
  }
}

module attributes {stable_mosaic.version = 14 : i64} {
  func.func @_tc_body(%arg0: i32, %arg1: memref<4096xi32, #tpu.memory_space<vmem>>, %arg2: memref<4096x64xf32, #tpu.memory_space<vmem>>, %arg3: memref<4096x128xf32, #tpu.memory_space<vmem>>, %arg4: memref<4096xf32, #tpu.memory_space<vmem>>, %arg5: memref<256x128xf32, #tpu.memory_space<vmem>>, %arg6: memref<256xf32, #tpu.memory_space<vmem>>, %arg7: memref<256xf32, #tpu.memory_space<vmem>>, %arg8: memref<1x1xf32, #tpu.memory_space<vmem>>) attributes {dimension_semantics = [#tpu.dimension_semantics<arbitrary>], iteration_bounds = array<i64: 4>, scalar_prefetch = 0 : i64, scratch_operands = 0 : i64, tpu.core_type = #tpu.core_type<tc>, window_params = [{transform_indices = @transform_0, window_bounds = array<i64: 4096>}, {transform_indices = @transform_1, window_bounds = array<i64: 4096, 64>}, {transform_indices = @transform_2, window_bounds = array<i64: 4096, 128>}, {transform_indices = @transform_3, window_bounds = array<i64: 4096>}, {pipeline_mode = #tpu.pipeline_mode<synchronous>, transform_indices = @transform_4, window_bounds = array<i64: 256, 128>}, {pipeline_mode = #tpu.pipeline_mode<synchronous>, transform_indices = @transform_5, window_bounds = array<i64: 256>}, {pipeline_mode = #tpu.pipeline_mode<synchronous>, transform_indices = @transform_6, window_bounds = array<i64: 256>}, {pipeline_mode = #tpu.pipeline_mode<synchronous>, transform_indices = @transform_7, window_bounds = array<i64: 1, 1>}]} {
    %get3A = arith.constant 0 : index
    %get3A_0 = arith.constant 0 : index
    %get3A_1 = vector.load %arg2[%get3A, %get3A_0] : memref<4096x64xf32, #tpu.memory_space<vmem>>, vector<4096x64xf32>
    %get3A_2 = arith.constant 0 : index
    %get3A_3 = arith.constant 0 : index
    %get3A_4 = vector.load %arg3[%get3A_2, %get3A_3] : memref<4096x128xf32, #tpu.memory_space<vmem>>, vector<4096x128xf32>
    %slice3A = vector.extract_strided_slice %get3A_4 {offsets = [0, 0], sizes = [4096, 64], strides = [1, 1]} : vector<4096x128xf32> to vector<4096x64xf32>
    %mul3A = arith.mulf %get3A_1, %slice3A : vector<4096x64xf32>
    %reduce_sum3A = arith.constant dense<0.000000e+00> : vector<4096xf32>
    %reduce_sum3A_5 = vector.multi_reduction <add>, %mul3A, %reduce_sum3A [1] : vector<4096x64xf32> to vector<4096xf32>
    %get3A_6 = arith.constant 0 : index
    %get3A_7 = vector.load %arg4[%get3A_6] : memref<4096xf32, #tpu.memory_space<vmem>>, vector<4096xf32>
    %add3A = arith.addf %reduce_sum3A_5, %get3A_7 : vector<4096xf32>
    %get3A_8 = arith.constant 0 : index
    %get3A_9 = vector.load %arg1[%get3A_8] : memref<4096xi32, #tpu.memory_space<vmem>>, vector<4096xi32>
    %convert_element_type3A = arith.sitofp %get3A_9 : vector<4096xi32> to vector<4096xf32>
    %add3A_10 = arith.constant 2.000000e+00 : f32
    %add3A_11 = vector.broadcast %add3A_10 : f32 to vector<4096xf32>
    %add3A_12 = arith.addf %convert_element_type3A, %add3A_11 : vector<4096xf32>
    %log3A = math.log %add3A_12 : vector<4096xf32>
    %add3A_13 = arith.constant 1.000000e+00 : f32
    %add3A_14 = vector.broadcast %add3A_13 : f32 to vector<4096xf32>
    %add3A_15 = arith.addf %convert_element_type3A, %add3A_14 : vector<4096xf32>
    %log3A_16 = math.log %add3A_15 : vector<4096xf32>
    %sub3A = arith.subf %log3A, %log3A_16 : vector<4096xf32>
    %div3A = arith.constant 10.8197985 : f32
    %div3A_17 = vector.broadcast %div3A : f32 to vector<4096xf32>
    %div3A_18 = arith.divf %sub3A, %div3A_17 : vector<4096xf32>
    %neg3A = arith.constant 0.000000e+00 : f32
    %neg3A_19 = vector.broadcast %neg3A : f32 to vector<4096xf32>
    %neg3A_20 = arith.subf %neg3A_19, %div3A_18 : vector<4096xf32>
    %add3A_21 = arith.constant 1.000000e+00 : f32
    %add3A_22 = vector.broadcast %add3A_21 : f32 to vector<4096xf32>
    %add3A_23 = arith.addf %add3A_22, %neg3A_20 : vector<4096xf32>
    %log3A_24 = math.log %add3A_23 : vector<4096xf32>
    %sub3A_25 = arith.constant 1.000000e+00 : f32
    %sub3A_26 = vector.broadcast %sub3A_25 : f32 to vector<4096xf32>
    %sub3A_27 = arith.subf %add3A_23, %sub3A_26 : vector<4096xf32>
    %sub3A_28 = arith.subf %neg3A_20, %sub3A_27 : vector<4096xf32>
    %div3A_29 = arith.divf %sub3A_28, %add3A_23 : vector<4096xf32>
    %add3A_30 = arith.addf %log3A_24, %div3A_29 : vector<4096xf32>
    %mul3A_31 = arith.constant 2.560000e+02 : f32
    %mul3A_32 = vector.broadcast %mul3A_31 : f32 to vector<4096xf32>
    %mul3A_33 = arith.mulf %mul3A_32, %add3A_30 : vector<4096xf32>
    %exp3A = math.exp %mul3A_33 : vector<4096xf32>
    %sub3A_34 = arith.constant 1.000000e+00 : f32
    %sub3A_35 = vector.broadcast %sub3A_34 : f32 to vector<4096xf32>
    %sub3A_36 = arith.subf %sub3A_35, %exp3A : vector<4096xf32>
    %log3A_37 = math.log %sub3A_36 : vector<4096xf32>
    %neg3A_38 = arith.constant 0.000000e+00 : f32
    %neg3A_39 = vector.broadcast %neg3A_38 : f32 to vector<4096xf32>
    %neg3A_40 = arith.subf %neg3A_39, %log3A_37 : vector<4096xf32>
    %add3A_41 = arith.addf %add3A, %neg3A_40 : vector<4096xf32>
    %neg3A_42 = arith.constant 0.000000e+00 : f32
    %neg3A_43 = vector.broadcast %neg3A_42 : f32 to vector<4096xf32>
    %neg3A_44 = arith.subf %neg3A_43, %add3A_41 : vector<4096xf32>
    %exp3A_45 = math.exp %neg3A_44 : vector<4096xf32>
    %add3A_46 = arith.constant 1.000000e+00 : f32
    %add3A_47 = vector.broadcast %add3A_46 : f32 to vector<4096xf32>
    %add3A_48 = arith.addf %add3A_47, %exp3A_45 : vector<4096xf32>
    %log3A_49 = math.log %add3A_48 : vector<4096xf32>
    %reduce_sum3A_50 = vector.shape_cast %log3A_49 : vector<4096xf32> to vector<1x4096xf32>
    %reduce_sum3A_51 = arith.constant dense<0.000000e+00> : vector<1xf32>
    %reduce_sum3A_52 = vector.multi_reduction <add>, %reduce_sum3A_50, %reduce_sum3A_51 [1] : vector<1x4096xf32> to vector<1xf32>
    %reduce_sum3A_53 = vector.shape_cast %reduce_sum3A_52 : vector<1xf32> to vector<1x1xf32>
    %reduce_sum3A_54 = vector.extract %reduce_sum3A_53[0, 0] : f32 from vector<1x1xf32>
    %get3A_55 = arith.constant 0 : index
    %get3A_56 = arith.constant 0 : index
    %get3A_57 = vector.load %arg5[%get3A_55, %get3A_56] : memref<256x128xf32, #tpu.memory_space<vmem>>, vector<256x128xf32>
    %slice3A_58 = vector.extract_strided_slice %get3A_57 {offsets = [0, 0], sizes = [256, 64], strides = [1, 1]} : vector<256x128xf32> to vector<256x64xf32>
    %get3A_59 = arith.constant 0 : index
    %get3A_60 = vector.load %arg6[%get3A_59] : memref<256xf32, #tpu.memory_space<vmem>>, vector<256xf32>
    %get3A_61 = arith.constant 0 : index
    %get3A_62 = vector.load %arg7[%get3A_61] : memref<256xf32, #tpu.memory_space<vmem>>, vector<256xf32>
    %add3A_63 = arith.addf %get3A_60, %get3A_62 : vector<256xf32>
    %dot_general3A = arith.constant dense<0.000000e+00> : vector<4096x256xf32>
    %dot_general3A_64 = tpu.matmul %get3A_1, %slice3A_58, %dot_general3A {dimension_numbers = #tpu.dot_dimension_numbers<[1], [1], [0], [0], [0, 0, 1, 0], [], []>, transpose_lhs_hint = false} : vector<4096x64xf32>, vector<256x64xf32>, vector<4096x256xf32> -> vector<4096x256xf32>
    %broadcast_in_dim3A = vector.shape_cast %add3A_63 : vector<256xf32> to vector<1x256xf32>
    %add3A_65 = vector.broadcast %broadcast_in_dim3A : vector<1x256xf32> to vector<4096x256xf32>
    %add3A_66 = arith.addf %dot_general3A_64, %add3A_65 : vector<4096x256xf32>
    %exp3A_67 = math.exp %add3A_66 : vector<4096x256xf32>
    %add3A_68 = arith.constant 1.000000e+00 : f32
    %add3A_69 = vector.broadcast %add3A_68 : f32 to vector<4096x256xf32>
    %add3A_70 = arith.addf %add3A_69, %exp3A_67 : vector<4096x256xf32>
    %log3A_71 = math.log %add3A_70 : vector<4096x256xf32>
    %reduce_sum3A_72 = vector.shape_cast %log3A_71 : vector<4096x256xf32> to vector<1x4096x256xf32>
    %reduce_sum3A_73 = arith.constant dense<0.000000e+00> : vector<1xf32>
    %reduce_sum3A_74 = vector.multi_reduction <add>, %reduce_sum3A_72, %reduce_sum3A_73 [1, 2] : vector<1x4096x256xf32> to vector<1xf32>
    %reduce_sum3A_75 = vector.shape_cast %reduce_sum3A_74 : vector<1xf32> to vector<1x1x1xf32>
    %reduce_sum3A_76 = vector.extract %reduce_sum3A_75[0, 0, 0] : f32 from vector<1x1x1xf32>
    %add3A_77 = arith.addf %reduce_sum3A_54, %reduce_sum3A_76 : f32
    %mul3A_78 = arith.constant 6.10351563E-5 : f32
    %mul3A_79 = arith.mulf %add3A_77, %mul3A_78 : f32
    %eq3A = arith.constant 0 : i32
    %eq3A_80 = arith.cmpi eq, %arg0, %eq3A : i32
    %convert_element_type3A_81 = arith.extui %eq3A_80 : i1 to i32
    %cond3A = arith.constant 0 : i32
    %cond3A_82 = arith.cmpi ne, %convert_element_type3A_81, %cond3A : i32
    scf.if %cond3A_82 {
      %broadcast_in_dim3A_90 = arith.constant 0.000000e+00 : f32
      %broadcast_in_dim3A_91 = vector.broadcast %broadcast_in_dim3A_90 : f32 to vector<1x1xf32>
      %swap3A_92 = arith.constant 0 : index
      %swap3A_93 = arith.constant 0 : index
      %swap3A_94 = vector.load %arg8[%swap3A_92, %swap3A_93] : memref<1x1xf32, #tpu.memory_space<vmem>>, vector<1x1xf32>
      tpu.vector_store %arg8[%swap3A_92, %swap3A_93], %broadcast_in_dim3A_91 {strides = array<i32>} : memref<1x1xf32, #tpu.memory_space<vmem>>, vector<1x1xf32>,
    } else {
    }
    %get3A_83 = arith.constant 0 : index
    %get3A_84 = arith.constant 0 : index
    %get3A_85 = vector.load %arg8[%get3A_83, %get3A_84] : memref<1x1xf32, #tpu.memory_space<vmem>>, vector<1x1xf32>
    %broadcast_in_dim3A_86 = vector.broadcast %mul3A_79 : f32 to vector<1x1xf32>
    %add3A_87 = arith.addf %get3A_85, %broadcast_in_dim3A_86 : vector<1x1xf32>
    %swap3A = arith.constant 0 : index
    %swap3A_88 = arith.constant 0 : index
    %swap3A_89 = vector.load %arg8[%swap3A, %swap3A_88] : memref<1x1xf32, #tpu.memory_space<vmem>>, vector<1x1xf32>
    tpu.vector_store %arg8[%swap3A, %swap3A_88], %add3A_87 {strides = array<i32>} : memref<1x1xf32, #tpu.memory_space<vmem>>, vector<1x1xf32>,
    return
  }
  func.func @transform_0(%arg0: i32) -> i32 {
    %c0_i32 = arith.constant 0 : i32
    return %arg0 : i32
  }
  func.func @transform_1(%arg0: i32) -> (i32, i32) {
    %c0_i32 = arith.constant 0 : i32
    %c0_i32_0 = arith.constant 0 : i32
    return %arg0, %c0_i32 : i32, i32
  }
  func.func @transform_2(%arg0: i32) -> (i32, i32) {
    %c0_i32 = arith.constant 0 : i32
    %c0_i32_0 = arith.constant 0 : i32
    return %arg0, %c0_i32 : i32, i32
  }
  func.func @transform_3(%arg0: i32) -> i32 {
    %c0_i32 = arith.constant 0 : i32
    return %arg0 : i32
  }
  func.func @transform_4(%arg0: i32) -> (i32, i32) {
    %c0_i32 = arith.constant 0 : i32
    %c0_i32_0 = arith.constant 0 : i32
    %c0_i32_1 = arith.constant 0 : i32
    return %c0_i32, %c0_i32_0 : i32, i32
  }
  func.func @transform_5(%arg0: i32) -> i32 {
    %c0_i32 = arith.constant 0 : i32
    %c0_i32_0 = arith.constant 0 : i32
    return %c0_i32 : i32
  }
  func.func @transform_6(%arg0: i32) -> i32 {
    %c0_i32 = arith.constant 0 : i32
    %c0_i32_0 = arith.constant 0 : i32
    return %c0_i32 : i32
  }
  func.func @transform_7(%arg0: i32) -> (i32, i32) {
    %c0_i32 = arith.constant 0 : i32
    %c0_i32_0 = arith.constant 0 : i32
    %c0_i32_1 = arith.constant 0 : i32
    return %c0_i32, %c0_i32_0 : i32, i32
  }
}

</mosaic_0001>

<sc_bundles>
// kernel: kernel.4.cloned.1.call-start
scs
__scs_entry_jumppad:
0x0: {  	(pc) =	sbr.rel $0x88, $3  }
0x1: {  	(tag) =	ssettag $0x0;
	lr =	simm.s32 $0x1  }
0x2: {  	[smem:$0x3F9D] =	sst lr;
	_ =	strace $0xD0000000  }
0x3: {  	_ = 	snop  }
0x4: {  	_ = 	snop  }
0x5: {  	_ = 	snop  }
0x6: {  	_ = 	snop  }
0x7: {  	_ = 	snop  }
__scs_overlays_trampoline_lowered:
0x8: {  	[smem:$0x3FAC] =	sst s0  }
0x9: {  	[smem:$0x3FAD] =	sst s1  }
0xa: {  	[smem:$0x3FAE] =	sst s2  }
0xb: {  	[smem:$0x3FAF] =	sst s3  }
0xc: {  	[smem:$0x3FB0] =	sst s4  }
0xd: {  	[smem:$0x3FB1] =	sst s5  }
0xe: {  	[smem:$0x3FB2] =	sst s6  }
0xf: {  	[smem:$0x3FB3] =	sst s7  }
0x10: {  	[smem:$0x3FB4] =	sst s8  }
0x11: {  	[smem:$0x3FB5] =	sst s9;
	s0 =	simm.s32 @!p0 $0x0  }
0x12: {  	s1 =	sld [smem:$0x3F9B];
	s0 =	simm.s32 @p0 $0x1  }
0x13: {  	[smem:$0x3FB6] =	sst s0;
	s0 =	simm.s32 @!p1 $0x0  }
0x14: {  	s2 =	sld [smem:$0x3F9A];
	s0 =	simm.s32 @p1 $0x1  }
0x15: {  	[smem:$0x3FB7] =	sst s0;
	s0 =	simm.s32 @!p2 $0x0  }
0x16: {  	s3 =	sld [smem:$0x3FDB];
	s0 =	simm.s32 @p2 $0x1  }
0x17: {  	s4 =	simm.s32 $0x1BF5;
	[smem:$0x3FB9] =	sst s0  }
0x18: {  	s0 =	sld [smem:$0x3F9C];
	_ =	swait.ge [sflag:s4], $0x0  }
0x19: {  	s7 =	sld [smem:$0x3F9D]  }
0x1a: {  	s8 =	sadd.s32 $0xFFFFE003, lr  }
0x1b: {  	s9 =	sadd.s32 $0xFFFFFEF7, lr;
	s5 =	simm.s32 $0xFFFFFFFF;
	p2 =	slt.u32 s8, $0xFFFFF086  }
0x1c: {  	p1 =	slt.u32 s9, $0xF7A;
	s5 =	simm.s32 @!p2 $0x0  }
0x1d: {  	s5 =	simm.s32 @p1 $0x1;
	p0 =	seq.s32 s7, s2  }
0x1e: {  	s7 =	smul.u32 @!p0 $0xF7A, s2;
	p2 =	seq.s32 @!p0 s5, $0x0  }
0x1f: {  	s9 =	smul.u32 $0xF7A, s1;
	s8 =	simm.s32 @!p0 $0x1BF5;
	p2 =	por !p2, p0  }
0x20: {  	[sflag:s8] =	ssyncset.s32 @!p0 $0xFFFFF086;
	s6 =	sadd.s32 @!p0 s3, s7;
	s7 =	simm.s32 @!p0 $0x108  }
0x21: {  	s3 =	sadd.s32 s3, s9;
	s6 =	sadd.s32 @!p0 $0x88, s6;
	s7 =	simm.s32 @p2 $0x1082  }
0x22: {  	[simem:s7], [sflag:s8] =	dma.local @!p0 [hbm:s6], $0xF7A  }
0x23: {  	s9 =	sor.u32 $0xD0000000, s2;
	s6 =	simm.s32 $0x108;
	_ =	swait.ge @!p0 [sflag:s8], $0x0  }
0x24: {  	s3 =	sadd.s32 $0x88, s3;
	s6 =	simm.s32 @!p1 $0x1082;
	[sflag:s4] =	ssyncset.s32 $0xFFFFF086  }
0x25: {  	[simem:s6], [sflag:s4] =	dma.local [hbm:s3], $0xF7A  }
0x26: {  	[smem:$0x3F9D] =	sst s1;
	(tag) =	ssettag s2;
	_ =	strace s9  }
0x27: {  	s1 =	sld [smem:$0x3FAD]  }
0x28: {  	s2 =	sld [smem:$0x3FAE]  }
0x29: {  	s4 =	sld [smem:$0x3FB0]  }
0x2a: {  	p0 =	seq.s32 s5, $0x0;
	s5 =	sld [smem:$0x3FB1]  }
0x2b: {  	s6 =	sld [smem:$0x3FB2]  }
0x2c: {  	s7 =	sld [smem:$0x3FB3]  }
0x2d: {  	s3 =	simm.s32 $0x108;
	s8 =	sld [smem:$0x3FB4]  }
0x2e: {  	s3 =	simm.s32 @!p0 $0x1082;
	s9 =	sld [smem:$0x3FB5]  }
0x2f: {  	lr =	sadd.s32 s0, s3;
	s0 =	sld [smem:$0x3FAC]  }
0x30: {  	s3 =	sld [smem:$0x3FAF]  }
0x31: {  	[smem:$0x3FB8] =	sst s10  }
0x32: {  	s10 =	sld [smem:$0x3FB6];
	_ =	sdelay $0x3  }
0x33: {  	p0 =	seq.s32 s10, $0x1;
	s10 =	sld [smem:$0x3FB8];
	_ =	sdelay $0x3  }
0x34: {  	[smem:$0x3FB8] =	sst s10  }
0x35: {  	s10 =	sld [smem:$0x3FB7];
	_ =	sdelay $0x3  }
0x36: {  	p1 =	seq.s32 s10, $0x1;
	s10 =	sld [smem:$0x3FB8];
	_ =	sdelay $0x3  }
0x37: {  	[smem:$0x3FB8] =	sst s10  }
0x38: {  	s10 =	sld [smem:$0x3FB9]  }
0x39: {  	_ = 	snop;
	(pc) =	sbr.ind lr, $3  }
0x3a: {  	_ = 	snop  }
0x3b: {  	_ = 	snop  }
0x3c: {  	p2 =	seq.s32 s10, $0x1;
	s10 =	sld [smem:$0x3FB8]  }
0x3d: {  	_ =	shalt  }
0x3e: {  	_ =	shalt  }
0x3f: {  	_ =	shalt  }
0x40: {  	_ =	shalt  }
0x41: {  	_ =	shalt  }
0x42: {  	_ =	shalt  }
0x43: {  	_ =	shalt  }
0x44: {  	_ =	shalt  }
0x45: {  	_ =	shalt  }
0x46: {  	_ =	shalt  }
0x47: {  	_ =	shalt  }
0x48: {  	_ =	shalt  }
0x49: {  	_ =	shalt  }
0x4a: {  	_ =	shalt  }
0x4b: {  	_ =	shalt  }
0x4c: {  	_ =	shalt  }
0x4d: {  	_ =	shalt  }
0x4e: {  	_ =	shalt  }
0x4f: {  	_ =	shalt  }
0x50: {  	_ =	shalt  }
0x51: {  	_ =	shalt  }
0x52: {  	_ =	shalt  }
0x53: {  	_ =	shalt  }
0x54: {  	_ =	shalt  }
0x55: {  	_ =	shalt  }
0x56: {  	_ =	shalt  }
0x57: {  	_ =	shalt  }
0x58: {  	_ =	shalt  }
0x59: {  	_ =	shalt  }
0x5a: {  	_ =	shalt  }
0x5b: {  	_ =	shalt  }
0x5c: {  	_ =	shalt  }
0x5d: {  	_ =	shalt  }
0x5e: {  	_ =	shalt  }
0x5f: {  	_ =	shalt  }
0x60: {  	_ =	shalt  }
0x61: {  	_ =	shalt  }
0x62: {  	_ =	shalt  }
0x63: {  	_ =	shalt  }
0x64: {  	_ =	shalt  }
0x65: {  	_ =	shalt  }
0x66: {  	_ =	shalt  }
0x67: {  	_ =	shalt  }
0x68: {  	_ =	shalt  }
0x69: {  	_ =	shalt  }
0x6a: {  	_ =	shalt  }
0x6b: {  	_ =	shalt  }
0x6c: {  	_ =	shalt  }
0x6d: {  	_ =	shalt  }
0x6e: {  	_ =	shalt  }
0x6f: {  	_ =	shalt  }
0x70: {  	_ =	shalt  }
0x71: {  	_ =	shalt  }
0x72: {  	_ =	shalt  }
0x73: {  	_ =	shalt  }
0x74: {  	_ =	shalt  }
0x75: {  	_ =	shalt  }
0x76: {  	_ =	shalt  }
0x77: {  	_ =	shalt  }
0x78: {  	_ =	shalt  }
0x79: {  	_ =	shalt  }
0x7a: {  	_ =	shalt  }
0x7b: {  	_ =	shalt  }
0x7c: {  	_ =	shalt  }
0x7d: {  	_ =	shalt  }
0x7e: {  	_ =	shalt  }
0x7f: {  	_ =	shalt  }
0x80: {  	_ =	shalt  }
0x81: {  	_ =	shalt  }
0x82: {  	_ =	shalt  }
0x83: {  	_ =	shalt  }
0x84: {  	_ =	shalt  }
0x85: {  	_ =	shalt  }
0x86: {  	_ =	shalt  }
0x87: {  	_ =	shalt  }
.Lfunc_end0:
.L_simem_size_0:
called_computation_lowered:
.L_overlay_start_0:
0x88: {  	s2 =	sld [smem:$0x3FD9]  }
0x89: {  	s3 =	sld [smem:$0x3FFE];
	_ =	sdelay $0x1  }
0x8a: {  	s1 =	srdreg.scid  }
0x8b: {  	s0 =	sand.u32 $0x1, s1  }
0x8c: {  	s17 =	sshll.u32 s0, $0xA;
	s2 =	sadd.s32 s3, s2  }
0x8d: {  	s2 =	sadd.s32 s2, s17  }
0x8e: {  	[smem:$0x3FC4] =	sst s2  }
0x8f: {  	_ = 	snop  }
0x90: {  	s2 =	sld [smem:$0x3FC7]  }
0x91: {  	s18 =	sld [smem:$0x3FC6];
	(tm) =	ssettm $0x1  }
0x92: {  	s4 =	sld [smem:$0x3FFB];
	_ =	sdelay $0x3  }
0x93: {  	_ =	strace s4  }
0x94: {  	s4 =	sld [smem:$0x3FFC];
	_ =	sdelay $0x3  }
0x95: {  	_ =	strace s4  }
0x96: {  	s4 =	sld [smem:$0x3FFD];
	_ =	sdelay $0x3  }
0x97: {  	_ =	strace s4  }
0x98: {  	_ =	strace $0x8FFFFFFF  }
0x99: {  	s19 =	sld [smem:$0x3FDB];
	_ =	sdelay $0x1  }
0x9a: {  	s5 =	simm.s32 $_scs_section_size  }
0x9b: {  	s6 =	simm.s32 $_size__tile_overlayer_lowered;
	s7 =	simm.s32 $_tile_overlayer_lowered  }
0x9c: {  	s22 =	simm.s32 $0x1BFF;
	s21 =	sshll.u32 s7, $0x1;
	s4 =	sadd.s32 s5, s19  }
0x9d: {  	s8 =	simm.s32 $0x0;
	s20 =	sshll.u32 s6, $0x1;
	s6 =	sadd.s32 s21, s4  }
0x9e: {  	[timem:s8], [sflag:s22] =	dma.local [hbm:s6], s20  }
0x9f: {  	_ =	swait.ge [sflag:s22], s20  }
0xa0: {  	s5 =	ssub.s32 $0x0, s20;
	[sflag:s22] =	ssyncset.done $0x0  }
0xa1: {  	[sflag:s22] =	ssyncadd.s32 s5;
	_ =	sdelay $0x1  }
0xa2: {  	s23 =	simm.s32 $0x1B8B  }
0xa3: {  	_ =	swait.ge [sflag:s23], $0x1  }
0xa4: {  	[sflag:s23] =	ssyncset.done $0x0  }
0xa5: {  	s25 =	simm.s32 $0x1B8E;
	s24 =	sld [smem:$0x3FFE];
	[sflag:s23] =	ssyncadd.s32 $0xFFFFFFFF  }
0xa6: {  	s26 =	simm.s32 $execute0_lowered;
	[smem:$0x3FD2] =	sst s25  }
0xa7: {  	s6 =	sshll.u32 s26, $0x1;
	_ =	strace $0x80000046;
	[dreg:$0x1] =	wrdreg $0xFFFFFFFF  }
0xa8: {  	s28 =	simm.s32 $_size_execute0_lowered;
	s4 =	sadd.s32 s4, s6;
	[dreg:$0x0] =	wrdreg $0x0  }
0xa9: {  	s6 =	sshll.u32 s28, $0x1;
	[dreg:$0x2] =	wrdreg s4  }
0xaa: {  	[dreg:$0x3] =	wrdreg s6  }
0xab: {  	[dreg:$0x4] =	wrdreg $0xC0  }
0xac: {  	_ =	task [dreg:s8], $0x5FFFF  }
0xad: {  	[dreg:$0x1] =	wrdreg $0xFFFFFFFF  }
0xae: {  	[dreg:$0x0] =	wrdreg $0x60  }
0xaf: {  	[dreg:$0x2] =	wrdreg s24  }
0xb0: {  	[dreg:$0x3] =	wrdreg s2  }
0xb1: {  	[dreg:$0x4] =	wrdreg s18  }
0xb2: {  	[dreg:$0x5] =	wrdreg $0x9  }
0xb3: {  	_ =	task.clear_ibuf [dreg:s8], $0x6FFFF;
	_ =	strace $0x90000046  }
0xb4: {  	s29 =	simm.s32 $0x9;
	_ =	strace $0x80000048  }
0xb5: {  	_ =	swait.ge [sflag:s29], $0x1  }
0xb6: {  	[sflag:s29] =	ssyncadd.s32 $0xFFFFFFFF  }
0xb7: {  	_ =	strace $0x90000048  }
0xb8: {  	_ =	sfence  }
0xb9: {  	s30 =	sld [smem:$0x0];
	_ =	sdelay $0x2  }
0xba: {  	s31 =	sshll.u32 s1, $0xD;
	s1 =	sshrl.u32 s1, $0x2  }
0xbb: {  	s3 =	sand.u32 $0x4000, s31;
	s1 =	sadd.s32 s1, s30  }
0xbc: {  	s0 =	sor.u32 s3, s0;
	s1 =	sshll.u32 s1, $0x11  }
0xbd: {  	s0 =	sor.u32 s1, s0  }
0xbe: {  	s0 =	sadd.s32 $0x8F2B, s0  }
0xbf: {  	[sflag:s0] =	ssyncadd.remote.s32 $0x1  }
0xc0: {  	_ =	sfence.sel $0xFFFF  }
0xc1: {  	[dreg:$0x0] =	wrdreg $0xFFFFFFFF;
	(pc) =	sbr.abs _section_cstart, $3  }
0xc2: {  	[dreg:$0x1] =	wrdreg $0xFFFFFFFF  }
0xc3: {  	_ =	task.clear_ibuf [dreg:s8], $0x2FFFF;
	_ =	strace $0x9FFFFFFF  }
0xc4: {  	(tm) =	ssettm $0x7FFFFFFF  }
0xc5: {  	_ =	shalt  }
tec
execute0_lowered:
.L_overlay_start_1:
0x0: {  	(tag) =	ssettag $0x1  }
0x1: {  	s28 =	rddreg [dreg:$0x0]  }
0x2: {  	s2 =	rddreg [dreg:$0x1]  }
0x3: {  	s1 =	srdreg.scid;
	s0 =	stileid.u32  }
0x4: {  	s4 =	rddreg [dreg:$0x2];
	s29 =	sand.u32 $0x1, s1;
	s5 =	sshll.u32 s0, $0x1  }
0x5: {  	s3 =	simm.s32 $0x0;
	s1 =	rddreg [dreg:$0x3];
	s31 =	sor.u32 s29, s5  }
0x6: {  	[smem:$0x7FF] =	sst s3;
	s26 =	sshll.u32 s31, $0x6  }
0x7: {  	_ =	strace $0x80000047;
	s5 =	sadd.s32 s4, s26;
	s4 =	simm.s32 $0x2  }
0x8: {  	[tilespmem:s3], [sflag:$0x2] =	stream.linear.gather [hbm4b:s5+s3], $0x200, $0x38;
	[tilespmem:$0x8610] =	vst v63  }
0x9: {  	_ =	swait.ge [sflag:s4], $0x200  }
0xa: {  	s30 =	sadd.s32 s31, s28;
	[sflag:s4] =	ssyncset.done $0x0  }
0xb: {  	s7 =	simm.s32 $0x8400;
	s6 =	sadd.s32 $0x63400, s30;
	[sflag:s4] =	ssyncadd.s32 $0xFFFFFE00  }
0xc: {  	[tilespmem:s7], [sflag:$0x2] =	stream.linear.gather [hbm4b:s6+s3], $0x8, $0x38;
	[tilespmem:$0x8610] =	vst v63  }
0xd: {  	_ =	swait.ge [sflag:s4], $0x8  }
0xe: {  	s9 =	simm.s32 $0x80;
	[sflag:s4] =	ssyncset.done $0x0  }
0xf: {  	s10 =	simm.s32 $0x200;
	s8 =	sadd.s32 $0x1800, s28;
	[sflag:s4] =	ssyncadd.s32 $0xFFFFFFF8  }
0x10: {  	[tilespmem:s10], [sflag:$0x1] =	stream.indirect.gather [hbm4b:s8+s9], $0x40, s3, s9, $0xb8;
	[tilespmem:$0x8610] =	vst v63  }
0x11: {  	s11 =	simm.s32 $0x8200  }
0x12: {  	[tilespmem:s11], [sflag:$0x1] =	stream.indirect.gather [hbm4b:s2+s9], $0x1, s3, s9, $0xb8;
	[tilespmem:$0x8610] =	vst v63  }
0x13: {  	s12 =	simm.s32 $0x2200  }
0x14: {  	[tilespmem:s12], [sflag:$0x1] =	stream.indirect.gather [hbm4b:s8+s9], $0x40, s9, s9, $0xb8;
	[tilespmem:$0x8610] =	vst v63  }
0x15: {  	s13 =	simm.s32 $0x8280  }
0x16: {  	[tilespmem:s13], [sflag:$0x1] =	stream.indirect.gather [hbm4b:s2+s9], $0x1, s9, s9, $0xb8;
	[tilespmem:$0x8610] =	vst v63  }
0x17: {  	s14 =	simm.s32 $0x100;
	s15 =	simm.s32 $0x4200  }
0x18: {  	[tilespmem:s15], [sflag:$0x1] =	stream.indirect.gather [hbm4b:s8+s9], $0x40, s14, s9, $0xb8;
	[tilespmem:$0x8610] =	vst v63  }
0x19: {  	s16 =	simm.s32 $0x8300  }
0x1a: {  	[tilespmem:s16], [sflag:$0x1] =	stream.indirect.gather [hbm4b:s2+s9], $0x1, s14, s9, $0xb8;
	[tilespmem:$0x8610] =	vst v63  }
0x1b: {  	s17 =	simm.s32 $0x180;
	s18 =	simm.s32 $0x6200  }
0x1c: {  	[tilespmem:s18], [sflag:$0x1] =	stream.indirect.gather [hbm4b:s8+s9], $0x40, s17, s9, $0xb8;
	[tilespmem:$0x8610] =	vst v63  }
0x1d: {  	s19 =	simm.s32 $0x8380  }
0x1e: {  	[tilespmem:s19], [sflag:$0x1] =	stream.indirect.gather [hbm4b:s2+s9], $0x1, s17, s9, $0xb8;
	[tilespmem:$0x8610] =	vst v63  }
0x1f: {  	s20 =	simm.s32 $0x8;
	s21 =	simm.s32 $0x8408  }
0x20: {  	[tilespmem:s21], [sflag:$0x1] =	stream.indirect.gather [hbm4b:s8+s20], $0x40, s7, s20, $0xb8;
	[tilespmem:$0x8610] =	vst v63  }
0x21: {  	s22 =	simm.s32 $0x8608;
	s23 =	simm.s32 $0x1  }
0x22: {  	[tilespmem:s22], [sflag:$0x1] =	stream.indirect.gather [hbm4b:s2+s20], $0x1, s7, s20, $0xb8;
	[tilespmem:$0x8610] =	vst v63  }
0x23: {  	_ =	swait.ge [sflag:s23], $0x2000  }
0x24: {  	[sflag:s23] =	ssyncset.done $0x0  }
0x25: {  	[sflag:s23] =	ssyncadd.s32 $0xFFFFE000  }
0x26: {  	_ =	swait.ge [sflag:s23], $0x80  }
0x27: {  	[sflag:s23] =	ssyncset.done $0x0  }
0x28: {  	[sflag:s23] =	ssyncadd.s32 $0xFFFFFF80  }
0x29: {  	_ =	swait.ge [sflag:s23], $0x2000  }
0x2a: {  	[sflag:s23] =	ssyncset.done $0x0  }
0x2b: {  	[sflag:s23] =	ssyncadd.s32 $0xFFFFE000  }
0x2c: {  	_ =	swait.ge [sflag:s23], $0x80  }
0x2d: {  	[sflag:s23] =	ssyncset.done $0x0  }
0x2e: {  	[sflag:s23] =	ssyncadd.s32 $0xFFFFFF80  }
0x2f: {  	_ =	swait.ge [sflag:s23], $0x2000  }
0x30: {  	[sflag:s23] =	ssyncset.done $0x0  }
0x31: {  	[sflag:s23] =	ssyncadd.s32 $0xFFFFE000  }
0x32: {  	_ =	swait.ge [sflag:s23], $0x80  }
0x33: {  	[sflag:s23] =	ssyncset.done $0x0  }
0x34: {  	[sflag:s23] =	ssyncadd.s32 $0xFFFFFF80  }
0x35: {  	_ =	swait.ge [sflag:s23], $0x2000  }
0x36: {  	[sflag:s23] =	ssyncset.done $0x0  }
0x37: {  	[sflag:s23] =	ssyncadd.s32 $0xFFFFE000  }
0x38: {  	_ =	swait.ge [sflag:s23], $0x80  }
0x39: {  	[sflag:s23] =	ssyncset.done $0x0  }
0x3a: {  	[sflag:s23] =	ssyncadd.s32 $0xFFFFFF80  }
0x3b: {  	_ =	swait.ge [sflag:s23], $0x200  }
0x3c: {  	[sflag:s23] =	ssyncset.done $0x0  }
0x3d: {  	[sflag:s23] =	ssyncadd.s32 $0xFFFFFE00  }
0x3e: {  	s24 =	sshll.u32 s31, $0xD;
	_ =	swait.ge [sflag:s23], $0x8  }
0x3f: {  	s24 =	sadd.s32 s24, s28;
	[sflag:s23] =	ssyncset.done $0x0  }
0x40: {  	s25 =	simm.s32 $0x40;
	s24 =	sadd.s32 $0x63600, s24;
	[sflag:s23] =	ssyncadd.s32 $0xFFFFFFF8  }
0x41: {  	[hbm4b:s24+s25] =	stream.strided.scatter [tilespmem:s10], [sflag:$0x2], $0x8000, s9, s25, $0x38;
	[tilespmem:$0x8610] =	vst v63  }
0x42: {  	_ =	swait.ge [sflag:s4], $0x8000  }
0x43: {  	s29 =	ssub.s32 $0x2, s29;
	s26 =	sadd.s32 s26, s28;
	[sflag:s4] =	ssyncset.done $0x0  }
0x44: {  	s31 =	sshll.u32 s31, $0x7;
	s26 =	sadd.s32 $0xA4600, s26;
	[sflag:s4] =	ssyncadd.s32 $0xFFFF8000  }
0x45: {  	[hbm4b:s26+s3] =	stream.linear.scatter [tilespmem:s11], [sflag:$0x2], $0x200, $0x38;
	[tilespmem:$0x8610] =	vst v63  }
0x46: {  	s28 =	sadd.s32 s31, s28;
	s31 =	sshrl.u32 s29, $0x1;
	_ =	swait.ge [sflag:s4], $0x200  }
0x47: {  	s28 =	sadd.s32 $0xA3600, s28;
	s31 =	ssub.s32 s29, s31;
	[sflag:s4] =	ssyncset.done $0x0  }
0x48: {  	s29 =	sadd.s32 $0xA4E00, s30;
	s30 =	smax.u32 s31, $0x1;
	[sflag:s4] =	ssyncadd.s32 $0xFFFFFE00  }
0x49: {  	[hbm4b:s28+s25] =	stream.strided.scatter [tilespmem:s21], [sflag:$0x2], $0x200, s9, s25, $0x38;
	[tilespmem:$0x8610] =	vst v63  }
0x4a: {  	p0 =	sne.s32 s30, $0x1;
	_ =	swait.ge [sflag:s4], $0x200  }
.Ltmp0:
0x4b: {  	[sflag:s4] =	ssyncset.done $0x0;
	(pc) =	sbr.rel @!p0 .LBB2_2-.Ltmp0, $4  }
0x4c: {  	[sflag:s4] =	ssyncadd.s32 $0xFFFFFE00  }
0x4d: {  	[hbm4b:s29+s3] =	stream.linear.scatter [tilespmem:s22], [sflag:$0x2], $0x8, $0x38;
	[tilespmem:$0x8610] =	vst v63  }
0x4e: {  	_ =	swait.ge [sflag:s4], $0x8  }
0x4f: {  	s30 =	sadd.s32 $0xFFFFFFFF, s30;
	[sflag:s4] =	ssyncset.done $0x0  }
.LBB2_1:
0x50: {  	p0 =	sne.s32 s30, $0x1;
	s30 =	sadd.s32 $0xFFFFFFFF, s30;
	[sflag:s4] =	ssyncadd.s32 $0xFFFFFFF8  }
0x51: {  	[tilespmem:s3], [sflag:$0x2] =	stream.linear.gather [hbm4b:s5+s3], $0x200, $0x38;
	[tilespmem:$0x8610] =	vst v63  }
0x52: {  	_ =	swait.ge [sflag:s4], $0x200  }
0x53: {  	[sflag:s4] =	ssyncset.done $0x0  }
0x54: {  	[sflag:s4] =	ssyncadd.s32 $0xFFFFFE00  }
0x55: {  	[tilespmem:s7], [sflag:$0x2] =	stream.linear.gather [hbm4b:s6+s3], $0x8, $0x38;
	[tilespmem:$0x8610] =	vst v63  }
0x56: {  	_ =	swait.ge [sflag:s4], $0x8  }
0x57: {  	[sflag:s4] =	ssyncset.done $0x0  }
0x58: {  	[sflag:s4] =	ssyncadd.s32 $0xFFFFFFF8  }
0x59: {  	[tilespmem:s10], [sflag:$0x1] =	stream.indirect.gather [hbm4b:s8+s9], $0x40, s3, s9, $0xb8;
	[tilespmem:$0x8610] =	vst v63  }
0x5a: {  	_ = 	snop  }
0x5b: {  	[tilespmem:s11], [sflag:$0x1] =	stream.indirect.gather [hbm4b:s2+s9], $0x1, s3, s9, $0xb8;
	[tilespmem:$0x8610] =	vst v63  }
0x5c: {  	_ = 	snop  }
0x5d: {  	[tilespmem:s12], [sflag:$0x1] =	stream.indirect.gather [hbm4b:s8+s9], $0x40, s9, s9, $0xb8;
	[tilespmem:$0x8610] =	vst v63  }
0x5e: {  	_ = 	snop  }
0x5f: {  	[tilespmem:s13], [sflag:$0x1] =	stream.indirect.gather [hbm4b:s2+s9], $0x1, s9, s9, $0xb8;
	[tilespmem:$0x8610] =	vst v63  }
0x60: {  	_ = 	snop  }
0x61: {  	[tilespmem:s15], [sflag:$0x1] =	stream.indirect.gather [hbm4b:s8+s9], $0x40, s14, s9, $0xb8;
	[tilespmem:$0x8610] =	vst v63  }
0x62: {  	_ = 	snop  }
0x63: {  	[tilespmem:s16], [sflag:$0x1] =	stream.indirect.gather [hbm4b:s2+s9], $0x1, s14, s9, $0xb8;
	[tilespmem:$0x8610] =	vst v63  }
0x64: {  	_ = 	snop  }
0x65: {  	[tilespmem:s18], [sflag:$0x1] =	stream.indirect.gather [hbm4b:s8+s9], $0x40, s17, s9, $0xb8;
	[tilespmem:$0x8610] =	vst v63  }
0x66: {  	_ = 	snop  }
0x67: {  	[tilespmem:s19], [sflag:$0x1] =	stream.indirect.gather [hbm4b:s2+s9], $0x1, s17, s9, $0xb8;
	[tilespmem:$0x8610] =	vst v63  }
0x68: {  	_ = 	snop  }
0x69: {  	[tilespmem:s21], [sflag:$0x1] =	stream.indirect.gather [hbm4b:s8+s20], $0x40, s7, s20, $0xb8;
	[tilespmem:$0x8610] =	vst v63  }
0x6a: {  	_ = 	snop  }
0x6b: {  	[tilespmem:s22], [sflag:$0x1] =	stream.indirect.gather [hbm4b:s2+s20], $0x1, s7, s20, $0xb8;
	[tilespmem:$0x8610] =	vst v63  }
0x6c: {  	_ =	swait.ge [sflag:s23], $0x2000  }
0x6d: {  	[sflag:s23] =	ssyncset.done $0x0  }
0x6e: {  	[sflag:s23] =	ssyncadd.s32 $0xFFFFE000  }
0x6f: {  	_ =	swait.ge [sflag:s23], $0x80  }
0x70: {  	[sflag:s23] =	ssyncset.done $0x0  }
0x71: {  	[sflag:s23] =	ssyncadd.s32 $0xFFFFFF80  }
0x72: {  	_ =	swait.ge [sflag:s23], $0x2000  }
0x73: {  	[sflag:s23] =	ssyncset.done $0x0  }
0x74: {  	[sflag:s23] =	ssyncadd.s32 $0xFFFFE000  }
0x75: {  	_ =	swait.ge [sflag:s23], $0x80  }
0x76: {  	[sflag:s23] =	ssyncset.done $0x0  }
0x77: {  	[sflag:s23] =	ssyncadd.s32 $0xFFFFFF80  }
0x78: {  	_ =	swait.ge [sflag:s23], $0x2000  }
0x79: {  	[sflag:s23] =	ssyncset.done $0x0  }
0x7a: {  	[sflag:s23] =	ssyncadd.s32 $0xFFFFE000  }
0x7b: {  	_ =	swait.ge [sflag:s23], $0x80  }
0x7c: {  	[sflag:s23] =	ssyncset.done $0x0  }
0x7d: {  	[sflag:s23] =	ssyncadd.s32 $0xFFFFFF80  }
0x7e: {  	_ =	swait.ge [sflag:s23], $0x2000  }
0x7f: {  	[sflag:s23] =	ssyncset.done $0x0  }
0x80: {  	[sflag:s23] =	ssyncadd.s32 $0xFFFFE000  }
0x81: {  	_ =	swait.ge [sflag:s23], $0x80  }
0x82: {  	[sflag:s23] =	ssyncset.done $0x0  }
0x83: {  	[sflag:s23] =	ssyncadd.s32 $0xFFFFFF80  }
0x84: {  	_ =	swait.ge [sflag:s23], $0x200  }
0x85: {  	[sflag:s23] =	ssyncset.done $0x0  }
0x86: {  	[sflag:s23] =	ssyncadd.s32 $0xFFFFFE00  }
0x87: {  	_ =	swait.ge [sflag:s23], $0x8  }
0x88: {  	[sflag:s23] =	ssyncset.done $0x0  }
0x89: {  	[sflag:s23] =	ssyncadd.s32 $0xFFFFFFF8  }
0x8a: {  	[hbm4b:s24+s25] =	stream.strided.scatter [tilespmem:s10], [sflag:$0x2], $0x8000, s9, s25, $0x38;
	[tilespmem:$0x8610] =	vst v63  }
0x8b: {  	_ =	swait.ge [sflag:s4], $0x8000  }
0x8c: {  	[sflag:s4] =	ssyncset.done $0x0  }
0x8d: {  	[sflag:s4] =	ssyncadd.s32 $0xFFFF8000  }
0x8e: {  	[hbm4b:s26+s3] =	stream.linear.scatter [tilespmem:s11], [sflag:$0x2], $0x200, $0x38;
	[tilespmem:$0x8610] =	vst v63  }
0x8f: {  	_ =	swait.ge [sflag:s4], $0x200  }
0x90: {  	[sflag:s4] =	ssyncset.done $0x0  }
0x91: {  	[sflag:s4] =	ssyncadd.s32 $0xFFFFFE00  }
0x92: {  	[hbm4b:s28+s25] =	stream.strided.scatter [tilespmem:s21], [sflag:$0x2], $0x200, s9, s25, $0x38;
	[tilespmem:$0x8610] =	vst v63  }
0x93: {  	_ =	swait.ge [sflag:s4], $0x200  }
.Ltmp1:
0x94: {  	[sflag:s4] =	ssyncset.done $0x0;
	(pc) =	sbr.rel @p0 .LBB2_1-.Ltmp1, $4  }
0x95: {  	[sflag:s4] =	ssyncadd.s32 $0xFFFFFE00  }
0x96: {  	[hbm4b:s29+s3] =	stream.linear.scatter [tilespmem:s22], [sflag:$0x2], $0x8, $0x38;
	[tilespmem:$0x8610] =	vst v63  }
0x97: {  	_ =	swait.ge [sflag:s4], $0x8  }
0x98: {  	[sflag:s4] =	ssyncset.done $0x0  }
.LBB2_2:
0x99: {  	[sflag:s4] =	ssyncadd.s32 $0xFFFFFFF8  }
0x9a: {  	_ =	sfence.sel $0x180000  }
0x9b: {  	[bflag:$0x0] =	sbarrier.arrive $0xFFFF  }
0x9c: {  	p0 =	sne.s32 s0, $0x0;
	_ =	strace $0x90000047  }
0x9d: {  	s0 =	sadd.s32 @!p0 $0x100000, s1;
	[bflag:$0x2] =	sbarrier.arrive $0xFFFF  }
0x9e: {  	[sflag:s0] =	ssyncadd.tile.s32 @!p0 $0x1;
	_ =	shalt  }
.Lfunc_end2:
_tile_overlayer_lowered:
.L_overlay_start_2:
0x9f: {  	(tag) =	ssettag $0x2  }
0xa0: {  	s0 =	rddreg [dreg:$0x0];
	s2 =	stileid.u32  }
0xa1: {  	s1 =	rddreg [dreg:$0x1];
	p0 =	sne.s32 s2, $0x0  }
0xa2: {  	s3 =	rddreg [dreg:$0x2];
	[bflag:$0x3] =	sbarrier.arrive $0xFFFF;
	s2 =	simm.s32 @!p0 $0x1C02  }
0xa3: {  	[timem:s3], [sflag:s2] =	dma.local @!p0 [hbm:s0], s1  }
0xa4: {  	s0 =	simm.s32 @!p0 $0x2  }
0xa5: {  	_ =	swait.ge @!p0 [sflag:s0], s1  }
0xa6: {  	s1 =	ssub.s32 @!p0 $0x0, s1;
	[sflag:s0] =	ssyncset.done @!p0 $0x0  }
0xa7: {  	[sflag:s0] =	ssyncadd.s32 @!p0 s1  }
0xa8: {  	[bflag:$0x3] =	sbarrier.arrive $0xFFFF  }
0xa9: {  	_ =	shalt  }

</sc_bundles>
